<compile_context>
chip_gen: v7x
topology: tpu7x:2x2x1
jax: 0.10.2.dev20260603
libtpu: 0.0.44.dev20260713+nightly
codegen_flags: <defaults>
</compile_context>

<pallas_src>
import functools

import jax
import jax.numpy as jnp
from jax import lax
from jax.experimental import pallas as pl
from jax.experimental.pallas import tpu as pltpu
from jax.experimental.pallas import tpu_sc as plsc
from jax._src.pallas import mpmd as _plmpmd

_THRES = 0.5
_L = 4096
_BR = 256
_NB = _L // _BR
_NW = 32
_IDX_TOTAL = 3 * _L
_PER_W = _IDX_TOTAL // _NW
_CHUNK = 128


def _rowstat_body(x_ref, base_ref, idx1_ref, idx2_ref, idxd_ref):
    pi = pl.program_id(0)
    x = x_ref[...]
    col = jax.lax.broadcasted_iota(jnp.int32, (_BR, _L), 1)
    g = pi * _BR + jax.lax.broadcasted_iota(jnp.int32, (_BR, 1), 0)
    masked = jnp.where(col == g, -jnp.inf, x)
    vmax = jnp.max(masked, axis=1, keepdims=True)
    cand = jnp.where(masked == vmax, col, _L)
    inds = jnp.min(cand, axis=1, keepdims=True)
    m = vmax > _THRES
    diag = g * (_L + 1)
    idx1 = jnp.where(m, g * _L + inds, diag)
    idx2 = jnp.where(m, inds * _L + g, diag)
    base_ref[...] = jnp.zeros((_BR, _L), jnp.float32)
    idx1_ref[...] = idx1[None]
    idx2_ref[...] = idx2[None]
    idxd_ref[...] = diag[None]


_sc_mesh = plsc.VectorSubcoreMesh(core_axis_name="c", subcore_axis_name="s")


def _sc_scatter_body(idx_hbm, base_hbm, out_hbm, idx_v, ones_v, sem):
    del base_hbm
    wid = lax.axis_index("s") * 2 + lax.axis_index("c")
    for t in range(_CHUNK // 16):
        ones_v[pl.ds(t * 16, 16)] = jnp.full((16,), 1.0, jnp.float32)
    base = wid * _PER_W
    for k in range(_PER_W // _CHUNK):
        pltpu.sync_copy(idx_hbm.at[pl.ds(base + k * _CHUNK, _CHUNK)], idx_v)
        pltpu.async_copy(ones_v, out_hbm.at[idx_v], sem).wait()


_sc_scatter = _plmpmd._mpmd_map(
    [(_sc_mesh, _sc_scatter_body)],
    out_types=[jax.ShapeDtypeStruct((_L * _L,), jnp.float32)],
    input_output_aliases={1: 0},
    scratch_types=[
        pltpu.VMEM((_CHUNK,), jnp.int32),
        pltpu.VMEM((_CHUNK,), jnp.float32),
        pltpu.SemaphoreType.DMA,
    ],
)


def kernel(input):
    x = input.reshape(_L, _L)

    idx_spec = pl.BlockSpec((1, _BR, 1), lambda i: (i, 0, 0))
    idx_shape = jax.ShapeDtypeStruct((_NB, _BR, 1), jnp.int32)
    base, idx1, idx2, idxd = pl.pallas_call(
        _rowstat_body,
        grid=(_NB,),
        in_specs=[pl.BlockSpec((_BR, _L), lambda i: (i, 0))],
        out_specs=[
            pl.BlockSpec((_BR, _L), lambda i: (i, 0)),
            idx_spec,
            idx_spec,
            idx_spec,
        ],
        out_shape=[
            jax.ShapeDtypeStruct((_L, _L), jnp.float32),
            idx_shape,
            idx_shape,
            idx_shape,
        ],
    )(x)

    idx_all = jnp.concatenate(
        [idx1.reshape(_L), idx2.reshape(_L), idxd.reshape(_L)]
    )

    (out,) = _sc_scatter(idx_all, base.reshape(_L * _L))
    return out.reshape(input.shape)

# --- scband reference (transcript-rebuilt; emitter-appended) ---
"""Pipeline reference for scband-maximizer-16647293239441 (READ-ONLY COPY).

The authoritative reference and input builder live on the scoring server;
editing this copy changes nothing except your own understanding.
"""

import jax, jax.numpy as jnp
import numpy as np

THRES = 0.5


def setup_inputs(seed: int = 0) -> dict:
    key = jax.random.key(seed)
    x = jax.random.normal(key, (1, 1, 4096, 4096), dtype=jnp.float32)
    return {"input": x}


def reference(input):
    inp = input
    L = inp.shape[-1]
    eyeL = jnp.eye(L, dtype=inp.dtype)
    # torch: input.diagonal(0, 2, 3)[:] = -inf  (in-place; done functionally here)
    diag_mask = jnp.eye(L, dtype=bool)[None, None, :, :]
    masked = jnp.where(diag_mask, -jnp.inf, inp)
    # torch: out = torch.eye(L).reshape_as(input)
    # torch: max over dim 3
    vals = jnp.max(masked, axis=3)      # [1,1,L]
    inds = jnp.argmax(masked, axis=3)   # [1,1,L]
    mask = vals > THRES                 # [1,1,L]
    msq = jnp.squeeze(mask)             # [L]
    idx2 = jnp.squeeze(inds)            # [L]
    # torch: out[:, :, idx1, idx2] = 1.0 ; out[:, :, idx2, idx1] = 1.0
    # equivalent one-hot construction (row i gets 1 at column idx2[i] when msq[i])
    row = jnp.arange(L)
    M = (row[None, :] == idx2[:, None]) & msq[:, None]  # [L, L]
    sym = M | M.T
    out2d = jnp.maximum(eyeL, sym.astype(inp.dtype))
    out = out2d.reshape(inp.shape)
    return out

if __name__ == "__main__":
    import jax
    _d = setup_inputs()
    print(jax.jit(kernel)(*tuple(_d.values())))

</pallas_src>

<mosaic_0001>
#map = affine_map<(d0, d1) -> (0)>
module attributes {stable_mosaic.version = 14 : i64} {
  func.func @_sc_scatter_body(%arg0: i32, %arg1: i32, %arg2: memref<12288xi32, #tpu.memory_space<hbm>>, %arg3: memref<16777216xf32, #tpu.memory_space<hbm>>, %arg4: memref<16777216xf32, #tpu.memory_space<hbm>>, %arg5: memref<128xi32, #tpu.memory_space<vmem>>, %arg6: memref<128xf32, #tpu.memory_space<vmem>>, %arg7: memref<!tpu.dma_semaphore, #tpu.memory_space<semaphore_mem>>) attributes {dimension_semantics = [#tpu.dimension_semantics<core_parallel>, #tpu.dimension_semantics<subcore_parallel>], iteration_bounds = array<i64: 2, 16>, scalar_prefetch = 0 : i64, scratch_operands = 3 : i64, tpu.core_type = #tpu.core_type<sc_vector_subcore>, window_params = [{transform_indices = #map}, {transform_indices = #map}, {transform_indices = #map}]} {
    %mul3A = arith.constant 2 : i32
    %mul3A_0 = arith.muli %arg1, %mul3A : i32
    %add3A = arith.addi %mul3A_0, %arg0 : i32
    %broadcast_in_dim3A = arith.constant 1.000000e+00 : f32
    %broadcast_in_dim3A_1 = vector.broadcast %broadcast_in_dim3A : f32 to vector<16xf32>
    %swap3A = arith.constant 0 : index
    %swap3A_2 = tpu.vector_load %arg6[%swap3A] {strides = array<i32>} : memref<128xf32, #tpu.memory_space<vmem>>, vector<16xf32>,
    %swap3A_3 = vector.shape_cast %swap3A_2 : vector<16xf32> to vector<16xf32>
    %swap3A_4 = vector.shape_cast %broadcast_in_dim3A_1 : vector<16xf32> to vector<16xf32>
    tpu.vector_store %arg6[%swap3A], %swap3A_4 {strides = array<i32>} : memref<128xf32, #tpu.memory_space<vmem>>, vector<16xf32>,
    %broadcast_in_dim3A_5 = arith.constant 1.000000e+00 : f32
    %broadcast_in_dim3A_6 = vector.broadcast %broadcast_in_dim3A_5 : f32 to vector<16xf32>
    %swap3A_7 = arith.constant 16 : index
    %swap3A_8 = tpu.vector_load %arg6[%swap3A_7] {strides = array<i32>} : memref<128xf32, #tpu.memory_space<vmem>>, vector<16xf32>,
    %swap3A_9 = vector.shape_cast %swap3A_8 : vector<16xf32> to vector<16xf32>
    %swap3A_10 = vector.shape_cast %broadcast_in_dim3A_6 : vector<16xf32> to vector<16xf32>
    tpu.vector_store %arg6[%swap3A_7], %swap3A_10 {strides = array<i32>} : memref<128xf32, #tpu.memory_space<vmem>>, vector<16xf32>,
    %broadcast_in_dim3A_11 = arith.constant 1.000000e+00 : f32
    %broadcast_in_dim3A_12 = vector.broadcast %broadcast_in_dim3A_11 : f32 to vector<16xf32>
    %swap3A_13 = arith.constant 32 : index
    %swap3A_14 = tpu.vector_load %arg6[%swap3A_13] {strides = array<i32>} : memref<128xf32, #tpu.memory_space<vmem>>, vector<16xf32>,
    %swap3A_15 = vector.shape_cast %swap3A_14 : vector<16xf32> to vector<16xf32>
    %swap3A_16 = vector.shape_cast %broadcast_in_dim3A_12 : vector<16xf32> to vector<16xf32>
    tpu.vector_store %arg6[%swap3A_13], %swap3A_16 {strides = array<i32>} : memref<128xf32, #tpu.memory_space<vmem>>, vector<16xf32>,
    %broadcast_in_dim3A_17 = arith.constant 1.000000e+00 : f32
    %broadcast_in_dim3A_18 = vector.broadcast %broadcast_in_dim3A_17 : f32 to vector<16xf32>
    %swap3A_19 = arith.constant 48 : index
    %swap3A_20 = tpu.vector_load %arg6[%swap3A_19] {strides = array<i32>} : memref<128xf32, #tpu.memory_space<vmem>>, vector<16xf32>,
    %swap3A_21 = vector.shape_cast %swap3A_20 : vector<16xf32> to vector<16xf32>
    %swap3A_22 = vector.shape_cast %broadcast_in_dim3A_18 : vector<16xf32> to vector<16xf32>
    tpu.vector_store %arg6[%swap3A_19], %swap3A_22 {strides = array<i32>} : memref<128xf32, #tpu.memory_space<vmem>>, vector<16xf32>,
    %broadcast_in_dim3A_23 = arith.constant 1.000000e+00 : f32
    %broadcast_in_dim3A_24 = vector.broadcast %broadcast_in_dim3A_23 : f32 to vector<16xf32>
    %swap3A_25 = arith.constant 64 : index
    %swap3A_26 = tpu.vector_load %arg6[%swap3A_25] {strides = array<i32>} : memref<128xf32, #tpu.memory_space<vmem>>, vector<16xf32>,
    %swap3A_27 = vector.shape_cast %swap3A_26 : vector<16xf32> to vector<16xf32>
    %swap3A_28 = vector.shape_cast %broadcast_in_dim3A_24 : vector<16xf32> to vector<16xf32>
    tpu.vector_store %arg6[%swap3A_25], %swap3A_28 {strides = array<i32>} : memref<128xf32, #tpu.memory_space<vmem>>, vector<16xf32>,
    %broadcast_in_dim3A_29 = arith.constant 1.000000e+00 : f32
    %broadcast_in_dim3A_30 = vector.broadcast %broadcast_in_dim3A_29 : f32 to vector<16xf32>
    %swap3A_31 = arith.constant 80 : index
    %swap3A_32 = tpu.vector_load %arg6[%swap3A_31] {strides = array<i32>} : memref<128xf32, #tpu.memory_space<vmem>>, vector<16xf32>,
    %swap3A_33 = vector.shape_cast %swap3A_32 : vector<16xf32> to vector<16xf32>
    %swap3A_34 = vector.shape_cast %broadcast_in_dim3A_30 : vector<16xf32> to vector<16xf32>
    tpu.vector_store %arg6[%swap3A_31], %swap3A_34 {strides = array<i32>} : memref<128xf32, #tpu.memory_space<vmem>>, vector<16xf32>,
    %broadcast_in_dim3A_35 = arith.constant 1.000000e+00 : f32
    %broadcast_in_dim3A_36 = vector.broadcast %broadcast_in_dim3A_35 : f32 to vector<16xf32>
    %swap3A_37 = arith.constant 96 : index
    %swap3A_38 = tpu.vector_load %arg6[%swap3A_37] {strides = array<i32>} : memref<128xf32, #tpu.memory_space<vmem>>, vector<16xf32>,
    %swap3A_39 = vector.shape_cast %swap3A_38 : vector<16xf32> to vector<16xf32>
    %swap3A_40 = vector.shape_cast %broadcast_in_dim3A_36 : vector<16xf32> to vector<16xf32>
    tpu.vector_store %arg6[%swap3A_37], %swap3A_40 {strides = array<i32>} : memref<128xf32, #tpu.memory_space<vmem>>, vector<16xf32>,
    %broadcast_in_dim3A_41 = arith.constant 1.000000e+00 : f32
    %broadcast_in_dim3A_42 = vector.broadcast %broadcast_in_dim3A_41 : f32 to vector<16xf32>
    %swap3A_43 = arith.constant 112 : index
    %swap3A_44 = tpu.vector_load %arg6[%swap3A_43] {strides = array<i32>} : memref<128xf32, #tpu.memory_space<vmem>>, vector<16xf32>,
    %swap3A_45 = vector.shape_cast %swap3A_44 : vector<16xf32> to vector<16xf32>
    %swap3A_46 = vector.shape_cast %broadcast_in_dim3A_42 : vector<16xf32> to vector<16xf32>
    tpu.vector_store %arg6[%swap3A_43], %swap3A_46 {strides = array<i32>} : memref<128xf32, #tpu.memory_space<vmem>>, vector<16xf32>,
    %mul3A_47 = arith.constant 384 : i32
    %mul3A_48 = arith.muli %add3A, %mul3A_47 : i32
    %add3A_49 = arith.constant 0 : i32
    %add3A_50 = arith.addi %mul3A_48, %add3A_49 : i32
    "tpu.region"() ({
      %run_scoped3A = tpu.sem_alloc : memref<!tpu.dma_semaphore, #tpu.memory_space<semaphore_mem>>
      %dma_start3A_65 = tpu.memref_slice %arg2[%add3A_50] : memref<12288xi32, #tpu.memory_space<hbm>> -> memref<128xi32, #tpu.memory_space<hbm>>
      %dma_start3A_66 = tpu.memref_slice %arg2[%add3A_50] : memref<12288xi32, #tpu.memory_space<hbm>> -> memref<128xi32, #tpu.memory_space<hbm>>
      tpu.enqueue_dma source(%dma_start3A_66 : memref<128xi32, #tpu.memory_space<hbm>>) target(%arg5 : memref<128xi32, #tpu.memory_space<vmem>>) target_semaphore(%run_scoped3A : memref<!tpu.dma_semaphore, #tpu.memory_space<semaphore_mem>>)
      %dma_wait3A_67 = tpu.memref_slice %arg2[%add3A_50] : memref<12288xi32, #tpu.memory_space<hbm>> -> memref<128xi32, #tpu.memory_space<hbm>>
      %dma_wait3A_68 = tpu.memref_slice %arg2[%add3A_50] : memref<12288xi32, #tpu.memory_space<hbm>> -> memref<128xi32, #tpu.memory_space<hbm>>
      tpu.wait_dma2 semaphore(%run_scoped3A : memref<!tpu.dma_semaphore, #tpu.memory_space<semaphore_mem>>) src(%dma_wait3A_68 : memref<128xi32, #tpu.memory_space<hbm>>) dst(%arg5 : memref<128xi32, #tpu.memory_space<vmem>>)
      tpu.yield
    }) : () -> ()
    %dma_start3A = arith.constant 0 : i32
    %dma_start3A_51 = tpu.memref_slice %arg4[%dma_start3A] : memref<16777216xf32, #tpu.memory_space<hbm>> -> memref<16777216xf32, #tpu.memory_space<hbm>>
    tpu.enqueue_indirect_dma source(%arg6 : memref<128xf32, #tpu.memory_space<vmem>>) target(%dma_start3A_51 : memref<16777216xf32, #tpu.memory_space<hbm>>) offsets(%arg5 : memref<128xi32, #tpu.memory_space<vmem>>) semaphore(%arg7 : memref<!tpu.dma_semaphore, #tpu.memory_space<semaphore_mem>>)
    %dma_wait3A = arith.constant 0 : i32
    %dma_wait3A_52 = tpu.memref_slice %arg4[%dma_wait3A] : memref<16777216xf32, #tpu.memory_space<hbm>> -> memref<16777216xf32, #tpu.memory_space<hbm>>
    tpu.wait_indirect_dma semaphore(%arg7 : memref<!tpu.dma_semaphore, #tpu.memory_space<semaphore_mem>>) src(%arg6 : memref<128xf32, #tpu.memory_space<vmem>>) dst(%dma_wait3A_52 : memref<16777216xf32, #tpu.memory_space<hbm>>)
    %add3A_53 = arith.constant 128 : i32
    %add3A_54 = arith.addi %mul3A_48, %add3A_53 : i32
    "tpu.region"() ({
      %run_scoped3A = tpu.sem_alloc : memref<!tpu.dma_semaphore, #tpu.memory_space<semaphore_mem>>
      %dma_start3A_65 = tpu.memref_slice %arg2[%add3A_54] : memref<12288xi32, #tpu.memory_space<hbm>> -> memref<128xi32, #tpu.memory_space<hbm>>
      %dma_start3A_66 = tpu.memref_slice %arg2[%add3A_54] : memref<12288xi32, #tpu.memory_space<hbm>> -> memref<128xi32, #tpu.memory_space<hbm>>
      tpu.enqueue_dma source(%dma_start3A_66 : memref<128xi32, #tpu.memory_space<hbm>>) target(%arg5 : memref<128xi32, #tpu.memory_space<vmem>>) target_semaphore(%run_scoped3A : memref<!tpu.dma_semaphore, #tpu.memory_space<semaphore_mem>>)
      %dma_wait3A_67 = tpu.memref_slice %arg2[%add3A_54] : memref<12288xi32, #tpu.memory_space<hbm>> -> memref<128xi32, #tpu.memory_space<hbm>>
      %dma_wait3A_68 = tpu.memref_slice %arg2[%add3A_54] : memref<12288xi32, #tpu.memory_space<hbm>> -> memref<128xi32, #tpu.memory_space<hbm>>
      tpu.wait_dma2 semaphore(%run_scoped3A : memref<!tpu.dma_semaphore, #tpu.memory_space<semaphore_mem>>) src(%dma_wait3A_68 : memref<128xi32, #tpu.memory_space<hbm>>) dst(%arg5 : memref<128xi32, #tpu.memory_space<vmem>>)
      tpu.yield
    }) : () -> ()
    %dma_start3A_55 = arith.constant 0 : i32
    %dma_start3A_56 = tpu.memref_slice %arg4[%dma_start3A_55] : memref<16777216xf32, #tpu.memory_space<hbm>> -> memref<16777216xf32, #tpu.memory_space<hbm>>
    tpu.enqueue_indirect_dma source(%arg6 : memref<128xf32, #tpu.memory_space<vmem>>) target(%dma_start3A_56 : memref<16777216xf32, #tpu.memory_space<hbm>>) offsets(%arg5 : memref<128xi32, #tpu.memory_space<vmem>>) semaphore(%arg7 : memref<!tpu.dma_semaphore, #tpu.memory_space<semaphore_mem>>)
    %dma_wait3A_57 = arith.constant 0 : i32
    %dma_wait3A_58 = tpu.memref_slice %arg4[%dma_wait3A_57] : memref<16777216xf32, #tpu.memory_space<hbm>> -> memref<16777216xf32, #tpu.memory_space<hbm>>
    tpu.wait_indirect_dma semaphore(%arg7 : memref<!tpu.dma_semaphore, #tpu.memory_space<semaphore_mem>>) src(%arg6 : memref<128xf32, #tpu.memory_space<vmem>>) dst(%dma_wait3A_58 : memref<16777216xf32, #tpu.memory_space<hbm>>)
    %add3A_59 = arith.constant 256 : i32
    %add3A_60 = arith.addi %mul3A_48, %add3A_59 : i32
    "tpu.region"() ({
      %run_scoped3A = tpu.sem_alloc : memref<!tpu.dma_semaphore, #tpu.memory_space<semaphore_mem>>
      %dma_start3A_65 = tpu.memref_slice %arg2[%add3A_60] : memref<12288xi32, #tpu.memory_space<hbm>> -> memref<128xi32, #tpu.memory_space<hbm>>
      %dma_start3A_66 = tpu.memref_slice %arg2[%add3A_60] : memref<12288xi32, #tpu.memory_space<hbm>> -> memref<128xi32, #tpu.memory_space<hbm>>
      tpu.enqueue_dma source(%dma_start3A_66 : memref<128xi32, #tpu.memory_space<hbm>>) target(%arg5 : memref<128xi32, #tpu.memory_space<vmem>>) target_semaphore(%run_scoped3A : memref<!tpu.dma_semaphore, #tpu.memory_space<semaphore_mem>>)
      %dma_wait3A_67 = tpu.memref_slice %arg2[%add3A_60] : memref<12288xi32, #tpu.memory_space<hbm>> -> memref<128xi32, #tpu.memory_space<hbm>>
      %dma_wait3A_68 = tpu.memref_slice %arg2[%add3A_60] : memref<12288xi32, #tpu.memory_space<hbm>> -> memref<128xi32, #tpu.memory_space<hbm>>
      tpu.wait_dma2 semaphore(%run_scoped3A : memref<!tpu.dma_semaphore, #tpu.memory_space<semaphore_mem>>) src(%dma_wait3A_68 : memref<128xi32, #tpu.memory_space<hbm>>) dst(%arg5 : memref<128xi32, #tpu.memory_space<vmem>>)
      tpu.yield
    }) : () -> ()
    %dma_start3A_61 = arith.constant 0 : i32
    %dma_start3A_62 = tpu.memref_slice %arg4[%dma_start3A_61] : memref<16777216xf32, #tpu.memory_space<hbm>> -> memref<16777216xf32, #tpu.memory_space<hbm>>
    tpu.enqueue_indirect_dma source(%arg6 : memref<128xf32, #tpu.memory_space<vmem>>) target(%dma_start3A_62 : memref<16777216xf32, #tpu.memory_space<hbm>>) offsets(%arg5 : memref<128xi32, #tpu.memory_space<vmem>>) semaphore(%arg7 : memref<!tpu.dma_semaphore, #tpu.memory_space<semaphore_mem>>)
    %dma_wait3A_63 = arith.constant 0 : i32
    %dma_wait3A_64 = tpu.memref_slice %arg4[%dma_wait3A_63] : memref<16777216xf32, #tpu.memory_space<hbm>> -> memref<16777216xf32, #tpu.memory_space<hbm>>
    tpu.wait_indirect_dma semaphore(%arg7 : memref<!tpu.dma_semaphore, #tpu.memory_space<semaphore_mem>>) src(%arg6 : memref<128xf32, #tpu.memory_space<vmem>>) dst(%dma_wait3A_64 : memref<16777216xf32, #tpu.memory_space<hbm>>)
    return
  }
}

module attributes {stable_mosaic.version = 14 : i64} {
  func.func @_rowstat_body(%arg0: i32, %arg1: memref<256x4096xf32, #tpu.memory_space<vmem>>, %arg2: memref<256x4096xf32, #tpu.memory_space<vmem>>, %arg3: memref<1x256x1xi32, #tpu.memory_space<vmem>>, %arg4: memref<1x256x1xi32, #tpu.memory_space<vmem>>, %arg5: memref<1x256x1xi32, #tpu.memory_space<vmem>>) attributes {dimension_semantics = [#tpu.dimension_semantics<arbitrary>], iteration_bounds = array<i64: 16>, scalar_prefetch = 0 : i64, scratch_operands = 0 : i64, tpu.core_type = #tpu.core_type<tc>, window_params = [{transform_indices = @transform_0, window_bounds = array<i64: 256, 4096>}, {transform_indices = @transform_1, window_bounds = array<i64: 256, 4096>}, {transform_indices = @transform_2, window_bounds = array<i64: 1, 256, 1>}, {transform_indices = @transform_3, window_bounds = array<i64: 1, 256, 1>}, {transform_indices = @transform_4, window_bounds = array<i64: 1, 256, 1>}]} {
    %get3A = arith.constant 0 : index
    %get3A_0 = arith.constant 0 : index
    %get3A_1 = vector.load %arg1[%get3A, %get3A_0] : memref<256x4096xf32, #tpu.memory_space<vmem>>, vector<256x4096xf32>
    %iota3A = tpu.iota {dimensions = array<i32: 1>} : vector<256x4096xi32>
    %mul3A = arith.constant 256 : i32
    %mul3A_2 = arith.muli %arg0, %mul3A : i32
    %iota3A_3 = tpu.iota {dimensions = array<i32: 0>} : vector<256x1xi32>
    %add3A = vector.broadcast %mul3A_2 : i32 to vector<256x1xi32>
    %add3A_4 = arith.addi %add3A, %iota3A_3 : vector<256x1xi32>
    %eq3A = vector.broadcast %add3A_4 : vector<256x1xi32> to vector<256x4096xi32>
    %eq3A_5 = arith.cmpi eq, %iota3A, %eq3A : vector<256x4096xi32>
    %jit3A = arith.constant 0xFF800000 : f32
    %broadcast_in_dim3A = vector.broadcast %jit3A : f32 to vector<256x4096xf32>
    %select_n3A = arith.select %eq3A_5, %broadcast_in_dim3A, %get3A_1 : vector<256x4096xi1>, vector<256x4096xf32>
    %reduce_max3A = arith.constant dense<0xFF800000> : vector<256xf32>
    %reduce_max3A_6 = vector.multi_reduction <maximumf>, %select_n3A, %reduce_max3A [1] : vector<256x4096xf32> to vector<256xf32>
    %broadcast_in_dim3A_7 = vector.shape_cast %reduce_max3A_6 : vector<256xf32> to vector<256x1xf32>
    %eq3A_8 = vector.broadcast %broadcast_in_dim3A_7 : vector<256x1xf32> to vector<256x4096xf32>
    %eq3A_9 = arith.cmpf oeq, %select_n3A, %eq3A_8 : vector<256x4096xf32>
    %jit3A_10 = arith.constant 4096 : i32
    %broadcast_in_dim3A_11 = vector.broadcast %jit3A_10 : i32 to vector<256x4096xi32>
    %select_n3A_12 = arith.select %eq3A_9, %iota3A, %broadcast_in_dim3A_11 : vector<256x4096xi1>, vector<256x4096xi32>
    %reduce_min3A = arith.constant dense<2147483647> : vector<256xi32>
    %reduce_min3A_13 = vector.multi_reduction <minsi>, %select_n3A_12, %reduce_min3A [1] : vector<256x4096xi32> to vector<256xi32>
    %broadcast_in_dim3A_14 = vector.shape_cast %reduce_min3A_13 : vector<256xi32> to vector<256x1xi32>
    %gt3A = arith.constant 5.000000e-01 : f32
    %gt3A_15 = vector.broadcast %gt3A : f32 to vector<256x1xf32>
    %gt3A_16 = arith.cmpf ogt, %broadcast_in_dim3A_7, %gt3A_15 : vector<256x1xf32>
    %mul3A_17 = arith.constant 4097 : i32
    %mul3A_18 = vector.broadcast %mul3A_17 : i32 to vector<256x1xi32>
    %mul3A_19 = arith.muli %add3A_4, %mul3A_18 : vector<256x1xi32>
    %mul3A_20 = arith.constant 4096 : i32
    %mul3A_21 = vector.broadcast %mul3A_20 : i32 to vector<256x1xi32>
    %mul3A_22 = arith.muli %add3A_4, %mul3A_21 : vector<256x1xi32>
    %add3A_23 = arith.addi %mul3A_22, %broadcast_in_dim3A_14 : vector<256x1xi32>
    %select_n3A_24 = arith.select %gt3A_16, %add3A_23, %mul3A_19 : vector<256x1xi1>, vector<256x1xi32>
    %mul3A_25 = arith.constant 4096 : i32
    %mul3A_26 = vector.broadcast %mul3A_25 : i32 to vector<256x1xi32>
    %mul3A_27 = arith.muli %broadcast_in_dim3A_14, %mul3A_26 : vector<256x1xi32>
    %add3A_28 = arith.addi %mul3A_27, %add3A_4 : vector<256x1xi32>
    %select_n3A_29 = arith.select %gt3A_16, %add3A_28, %mul3A_19 : vector<256x1xi1>, vector<256x1xi32>
    %broadcast_in_dim3A_30 = arith.constant 0.000000e+00 : f32
    %broadcast_in_dim3A_31 = vector.broadcast %broadcast_in_dim3A_30 : f32 to vector<256x4096xf32>
    %swap3A = arith.constant 0 : index
    %swap3A_32 = arith.constant 0 : index
    %swap3A_33 = vector.load %arg2[%swap3A, %swap3A_32] : memref<256x4096xf32, #tpu.memory_space<vmem>>, vector<256x4096xf32>
    tpu.vector_store %arg2[%swap3A, %swap3A_32], %broadcast_in_dim3A_31 {strides = array<i32>} : memref<256x4096xf32, #tpu.memory_space<vmem>>, vector<256x4096xf32>,
    %broadcast_in_dim3A_34 = vector.shape_cast %select_n3A_24 : vector<256x1xi32> to vector<1x256x1xi32>
    %swap3A_35 = arith.constant 0 : index
    %swap3A_36 = arith.constant 0 : index
    %swap3A_37 = arith.constant 0 : index
    %swap3A_38 = vector.load %arg3[%swap3A_35, %swap3A_36, %swap3A_37] : memref<1x256x1xi32, #tpu.memory_space<vmem>>, vector<1x256x1xi32>
    tpu.vector_store %arg3[%swap3A_35, %swap3A_36, %swap3A_37], %broadcast_in_dim3A_34 {strides = array<i32>} : memref<1x256x1xi32, #tpu.memory_space<vmem>>, vector<1x256x1xi32>,
    %broadcast_in_dim3A_39 = vector.shape_cast %select_n3A_29 : vector<256x1xi32> to vector<1x256x1xi32>
    %swap3A_40 = arith.constant 0 : index
    %swap3A_41 = arith.constant 0 : index
    %swap3A_42 = arith.constant 0 : index
    %swap3A_43 = vector.load %arg4[%swap3A_40, %swap3A_41, %swap3A_42] : memref<1x256x1xi32, #tpu.memory_space<vmem>>, vector<1x256x1xi32>
    tpu.vector_store %arg4[%swap3A_40, %swap3A_41, %swap3A_42], %broadcast_in_dim3A_39 {strides = array<i32>} : memref<1x256x1xi32, #tpu.memory_space<vmem>>, vector<1x256x1xi32>,
    %broadcast_in_dim3A_44 = vector.shape_cast %mul3A_19 : vector<256x1xi32> to vector<1x256x1xi32>
    %swap3A_45 = arith.constant 0 : index
    %swap3A_46 = arith.constant 0 : index
    %swap3A_47 = arith.constant 0 : index
    %swap3A_48 = vector.load %arg5[%swap3A_45, %swap3A_46, %swap3A_47] : memref<1x256x1xi32, #tpu.memory_space<vmem>>, vector<1x256x1xi32>
    tpu.vector_store %arg5[%swap3A_45, %swap3A_46, %swap3A_47], %broadcast_in_dim3A_44 {strides = array<i32>} : memref<1x256x1xi32, #tpu.memory_space<vmem>>, vector<1x256x1xi32>,
    return
  }
  func.func @transform_0(%arg0: i32) -> (i32, i32) {
    %c0_i32 = arith.constant 0 : i32
    %c0_i32_0 = arith.constant 0 : i32
    return %arg0, %c0_i32 : i32, i32
  }
  func.func @transform_1(%arg0: i32) -> (i32, i32) {
    %c0_i32 = arith.constant 0 : i32
    %c0_i32_0 = arith.constant 0 : i32
    return %arg0, %c0_i32 : i32, i32
  }
  func.func @transform_2(%arg0: i32) -> (i32, i32, i32) {
    %c0_i32 = arith.constant 0 : i32
    %c0_i32_0 = arith.constant 0 : i32
    %c0_i32_1 = arith.constant 0 : i32
    return %arg0, %c0_i32, %c0_i32_0 : i32, i32, i32
  }
  func.func @transform_3(%arg0: i32) -> (i32, i32, i32) {
    %c0_i32 = arith.constant 0 : i32
    %c0_i32_0 = arith.constant 0 : i32
    %c0_i32_1 = arith.constant 0 : i32
    return %arg0, %c0_i32, %c0_i32_0 : i32, i32, i32
  }
  func.func @transform_4(%arg0: i32) -> (i32, i32, i32) {
    %c0_i32 = arith.constant 0 : i32
    %c0_i32_0 = arith.constant 0 : i32
    %c0_i32_1 = arith.constant 0 : i32
    return %arg0, %c0_i32, %c0_i32_0 : i32, i32, i32
  }
}

</mosaic_0001>

<sc_bundles>
// kernel: kernel.4.cloned.1.call-start
scs
__scs_entry_jumppad:
0x0: {  	(pc) =	sbr.rel $0x88, $3  }
0x1: {  	(tag) =	ssettag $0x0;
	lr =	simm.s32 $0x1  }
0x2: {  	[smem:$0x3FA0] =	sst lr;
	_ =	strace $0xD0000000  }
0x3: {  	_ = 	snop  }
0x4: {  	_ = 	snop  }
0x5: {  	_ = 	snop  }
0x6: {  	_ = 	snop  }
0x7: {  	_ = 	snop  }
__scs_overlays_trampoline_lowered:
0x8: {  	[smem:$0x3FAF] =	sst s0  }
0x9: {  	[smem:$0x3FB0] =	sst s1  }
0xa: {  	[smem:$0x3FB1] =	sst s2  }
0xb: {  	[smem:$0x3FB2] =	sst s3  }
0xc: {  	[smem:$0x3FB3] =	sst s4  }
0xd: {  	[smem:$0x3FB4] =	sst s5  }
0xe: {  	[smem:$0x3FB5] =	sst s6  }
0xf: {  	[smem:$0x3FB6] =	sst s7  }
0x10: {  	[smem:$0x3FB7] =	sst s8  }
0x11: {  	[smem:$0x3FB8] =	sst s9;
	s0 =	simm.s32 @!p0 $0x0  }
0x12: {  	s1 =	sld [smem:$0x3F9E];
	s0 =	simm.s32 @p0 $0x1  }
0x13: {  	[smem:$0x3FB9] =	sst s0;
	s0 =	simm.s32 @!p1 $0x0  }
0x14: {  	s2 =	sld [smem:$0x3F9D];
	s0 =	simm.s32 @p1 $0x1  }
0x15: {  	[smem:$0x3FBA] =	sst s0;
	s0 =	simm.s32 @!p2 $0x0  }
0x16: {  	s3 =	sld [smem:$0x3FDB];
	s0 =	simm.s32 @p2 $0x1  }
0x17: {  	s4 =	simm.s32 $0x1BF5;
	[smem:$0x3FBC] =	sst s0  }
0x18: {  	s0 =	sld [smem:$0x3F9F];
	_ =	swait.ge [sflag:s4], $0x0  }
0x19: {  	s7 =	sld [smem:$0x3FA0]  }
0x1a: {  	s8 =	sadd.s32 $0xFFFFE003, lr  }
0x1b: {  	s9 =	sadd.s32 $0xFFFFFEF7, lr;
	s5 =	simm.s32 $0xFFFFFFFF;
	p2 =	slt.u32 s8, $0xFFFFF086  }
0x1c: {  	p1 =	slt.u32 s9, $0xF7A;
	s5 =	simm.s32 @!p2 $0x0  }
0x1d: {  	s5 =	simm.s32 @p1 $0x1;
	p0 =	seq.s32 s7, s2  }
0x1e: {  	s7 =	smul.u32 @!p0 $0xF7A, s2;
	p2 =	seq.s32 @!p0 s5, $0x0  }
0x1f: {  	s9 =	smul.u32 $0xF7A, s1;
	s8 =	simm.s32 @!p0 $0x1BF5;
	p2 =	por !p2, p0  }
0x20: {  	[sflag:s8] =	ssyncset.s32 @!p0 $0xFFFFF086;
	s6 =	sadd.s32 @!p0 s3, s7;
	s7 =	simm.s32 @!p0 $0x108  }
0x21: {  	s3 =	sadd.s32 s3, s9;
	s6 =	sadd.s32 @!p0 $0x88, s6;
	s7 =	simm.s32 @p2 $0x1082  }
0x22: {  	[simem:s7], [sflag:s8] =	dma.local @!p0 [hbm:s6], $0xF7A  }
0x23: {  	s9 =	sor.u32 $0xD0000000, s2;
	s6 =	simm.s32 $0x108;
	_ =	swait.ge @!p0 [sflag:s8], $0x0  }
0x24: {  	s3 =	sadd.s32 $0x88, s3;
	s6 =	simm.s32 @!p1 $0x1082;
	[sflag:s4] =	ssyncset.s32 $0xFFFFF086  }
0x25: {  	[simem:s6], [sflag:s4] =	dma.local [hbm:s3], $0xF7A  }
0x26: {  	[smem:$0x3FA0] =	sst s1;
	(tag) =	ssettag s2;
	_ =	strace s9  }
0x27: {  	s1 =	sld [smem:$0x3FB0]  }
0x28: {  	s2 =	sld [smem:$0x3FB1]  }
0x29: {  	s4 =	sld [smem:$0x3FB3]  }
0x2a: {  	p0 =	seq.s32 s5, $0x0;
	s5 =	sld [smem:$0x3FB4]  }
0x2b: {  	s6 =	sld [smem:$0x3FB5]  }
0x2c: {  	s7 =	sld [smem:$0x3FB6]  }
0x2d: {  	s3 =	simm.s32 $0x108;
	s8 =	sld [smem:$0x3FB7]  }
0x2e: {  	s3 =	simm.s32 @!p0 $0x1082;
	s9 =	sld [smem:$0x3FB8]  }
0x2f: {  	lr =	sadd.s32 s0, s3;
	s0 =	sld [smem:$0x3FAF]  }
0x30: {  	s3 =	sld [smem:$0x3FB2]  }
0x31: {  	[smem:$0x3FBB] =	sst s10  }
0x32: {  	s10 =	sld [smem:$0x3FB9];
	_ =	sdelay $0x3  }
0x33: {  	p0 =	seq.s32 s10, $0x1;
	s10 =	sld [smem:$0x3FBB];
	_ =	sdelay $0x3  }
0x34: {  	[smem:$0x3FBB] =	sst s10  }
0x35: {  	s10 =	sld [smem:$0x3FBA];
	_ =	sdelay $0x3  }
0x36: {  	p1 =	seq.s32 s10, $0x1;
	s10 =	sld [smem:$0x3FBB];
	_ =	sdelay $0x3  }
0x37: {  	[smem:$0x3FBB] =	sst s10  }
0x38: {  	s10 =	sld [smem:$0x3FBC]  }
0x39: {  	_ = 	snop;
	(pc) =	sbr.ind lr, $3  }
0x3a: {  	_ = 	snop  }
0x3b: {  	_ = 	snop  }
0x3c: {  	p2 =	seq.s32 s10, $0x1;
	s10 =	sld [smem:$0x3FBB]  }
0x3d: {  	_ =	shalt  }
0x3e: {  	_ =	shalt  }
0x3f: {  	_ =	shalt  }
0x40: {  	_ =	shalt  }
0x41: {  	_ =	shalt  }
0x42: {  	_ =	shalt  }
0x43: {  	_ =	shalt  }
0x44: {  	_ =	shalt  }
0x45: {  	_ =	shalt  }
0x46: {  	_ =	shalt  }
0x47: {  	_ =	shalt  }
0x48: {  	_ =	shalt  }
0x49: {  	_ =	shalt  }
0x4a: {  	_ =	shalt  }
0x4b: {  	_ =	shalt  }
0x4c: {  	_ =	shalt  }
0x4d: {  	_ =	shalt  }
0x4e: {  	_ =	shalt  }
0x4f: {  	_ =	shalt  }
0x50: {  	_ =	shalt  }
0x51: {  	_ =	shalt  }
0x52: {  	_ =	shalt  }
0x53: {  	_ =	shalt  }
0x54: {  	_ =	shalt  }
0x55: {  	_ =	shalt  }
0x56: {  	_ =	shalt  }
0x57: {  	_ =	shalt  }
0x58: {  	_ =	shalt  }
0x59: {  	_ =	shalt  }
0x5a: {  	_ =	shalt  }
0x5b: {  	_ =	shalt  }
0x5c: {  	_ =	shalt  }
0x5d: {  	_ =	shalt  }
0x5e: {  	_ =	shalt  }
0x5f: {  	_ =	shalt  }
0x60: {  	_ =	shalt  }
0x61: {  	_ =	shalt  }
0x62: {  	_ =	shalt  }
0x63: {  	_ =	shalt  }
0x64: {  	_ =	shalt  }
0x65: {  	_ =	shalt  }
0x66: {  	_ =	shalt  }
0x67: {  	_ =	shalt  }
0x68: {  	_ =	shalt  }
0x69: {  	_ =	shalt  }
0x6a: {  	_ =	shalt  }
0x6b: {  	_ =	shalt  }
0x6c: {  	_ =	shalt  }
0x6d: {  	_ =	shalt  }
0x6e: {  	_ =	shalt  }
0x6f: {  	_ =	shalt  }
0x70: {  	_ =	shalt  }
0x71: {  	_ =	shalt  }
0x72: {  	_ =	shalt  }
0x73: {  	_ =	shalt  }
0x74: {  	_ =	shalt  }
0x75: {  	_ =	shalt  }
0x76: {  	_ =	shalt  }
0x77: {  	_ =	shalt  }
0x78: {  	_ =	shalt  }
0x79: {  	_ =	shalt  }
0x7a: {  	_ =	shalt  }
0x7b: {  	_ =	shalt  }
0x7c: {  	_ =	shalt  }
0x7d: {  	_ =	shalt  }
0x7e: {  	_ =	shalt  }
0x7f: {  	_ =	shalt  }
0x80: {  	_ =	shalt  }
0x81: {  	_ =	shalt  }
0x82: {  	_ =	shalt  }
0x83: {  	_ =	shalt  }
0x84: {  	_ =	shalt  }
0x85: {  	_ =	shalt  }
0x86: {  	_ =	shalt  }
0x87: {  	_ =	shalt  }
.Lfunc_end0:
.L_simem_size_0:
called_computation.1_lowered:
.L_overlay_start_0:
0x88: {  	s2 =	sld [smem:$0x3FD9]  }
0x89: {  	s3 =	sld [smem:$0x3FFE];
	_ =	sdelay $0x1  }
0x8a: {  	s1 =	srdreg.scid  }
0x8b: {  	s0 =	sand.u32 $0x1, s1  }
0x8c: {  	s16 =	sshll.u32 s0, $0xA;
	s2 =	sadd.s32 s3, s2  }
0x8d: {  	s2 =	sadd.s32 s2, s16  }
0x8e: {  	[smem:$0x3FC7] =	sst s2  }
0x8f: {  	_ = 	snop  }
0x90: {  	(tm) =	ssettm $0x1  }
0x91: {  	s17 =	sld [smem:$0x3FFB];
	_ =	sdelay $0x3  }
0x92: {  	_ =	strace s17  }
0x93: {  	s2 =	sld [smem:$0x3FFC];
	_ =	sdelay $0x3  }
0x94: {  	_ =	strace s2  }
0x95: {  	s2 =	sld [smem:$0x3FFD];
	_ =	sdelay $0x3  }
0x96: {  	_ =	strace s2  }
0x97: {  	_ =	strace $0x8FFFFFFF  }
0x98: {  	s18 =	sld [smem:$0x3FDB];
	_ =	sdelay $0x1  }
0x99: {  	s19 =	simm.s32 $_scs_section_size  }
0x9a: {  	s4 =	simm.s32 $_size__tile_overlayer_lowered;
	s5 =	simm.s32 $_tile_overlayer_lowered  }
0x9b: {  	s22 =	simm.s32 $0x1BFF;
	s21 =	sshll.u32 s5, $0x1;
	s2 =	sadd.s32 s19, s18  }
0x9c: {  	s6 =	simm.s32 $0x0;
	s20 =	sshll.u32 s4, $0x1;
	s4 =	sadd.s32 s21, s2  }
0x9d: {  	[timem:s6], [sflag:s22] =	dma.local [hbm:s4], s20  }
0x9e: {  	_ =	swait.ge [sflag:s22], s20  }
0x9f: {  	s3 =	ssub.s32 $0x0, s20;
	[sflag:s22] =	ssyncset.done $0x0  }
0xa0: {  	[sflag:s22] =	ssyncadd.s32 s3;
	_ =	sdelay $0x1  }
0xa1: {  	s23 =	simm.s32 $0x1B8B  }
0xa2: {  	_ =	swait.ge [sflag:s23], $0x1  }
0xa3: {  	[sflag:s23] =	ssyncset.done $0x0  }
0xa4: {  	s25 =	simm.s32 $0x1B8E;
	s24 =	sld [smem:$0x3FFE];
	[sflag:s23] =	ssyncadd.s32 $0xFFFFFFFF  }
0xa5: {  	s26 =	simm.s32 $execute0_lowered;
	[smem:$0x3FD2] =	sst s25  }
0xa6: {  	s4 =	sshll.u32 s26, $0x1;
	_ =	strace $0x80000049;
	[dreg:$0x1] =	wrdreg $0xFFFFFFFF  }
0xa7: {  	s28 =	simm.s32 $_size_execute0_lowered;
	s2 =	sadd.s32 s2, s4;
	[dreg:$0x0] =	wrdreg $0x0  }
0xa8: {  	s4 =	sshll.u32 s28, $0x1;
	[dreg:$0x2] =	wrdreg s2  }
0xa9: {  	[dreg:$0x3] =	wrdreg s4  }
0xaa: {  	[dreg:$0x4] =	wrdreg $0xC0  }
0xab: {  	_ =	task [dreg:s6], $0x5FFFF  }
0xac: {  	[dreg:$0x1] =	wrdreg $0xFFFFFFFF  }
0xad: {  	[dreg:$0x0] =	wrdreg $0x60  }
0xae: {  	[dreg:$0x2] =	wrdreg s24  }
0xaf: {  	[dreg:$0x3] =	wrdreg $0x9  }
0xb0: {  	_ =	task.clear_ibuf [dreg:s6], $0x4FFFF;
	_ =	strace $0x90000049  }
0xb1: {  	s29 =	simm.s32 $0x9;
	_ =	strace $0x8000004B  }
0xb2: {  	_ =	swait.ge [sflag:s29], $0x1  }
0xb3: {  	[sflag:s29] =	ssyncadd.s32 $0xFFFFFFFF  }
0xb4: {  	_ =	strace $0x9000004B  }
0xb5: {  	_ =	sfence  }
0xb6: {  	s30 =	sld [smem:$0x0];
	_ =	sdelay $0x2  }
0xb7: {  	s31 =	sshll.u32 s1, $0xD;
	s1 =	sshrl.u32 s1, $0x2  }
0xb8: {  	s3 =	sand.u32 $0x4000, s31;
	s1 =	sadd.s32 s1, s30  }
0xb9: {  	s0 =	sor.u32 s3, s0;
	s1 =	sshll.u32 s1, $0x11  }
0xba: {  	s0 =	sor.u32 s1, s0  }
0xbb: {  	s0 =	sadd.s32 $0x8F2B, s0  }
0xbc: {  	[sflag:s0] =	ssyncadd.remote.s32 $0x1  }
0xbd: {  	_ =	sfence.sel $0xFFFF  }
0xbe: {  	[dreg:$0x0] =	wrdreg $0xFFFFFFFF;
	(pc) =	sbr.abs _section_cstart, $3  }
0xbf: {  	[dreg:$0x1] =	wrdreg $0xFFFFFFFF  }
0xc0: {  	_ =	task.clear_ibuf [dreg:s6], $0x2FFFF;
	_ =	strace $0x9FFFFFFF  }
0xc1: {  	(tm) =	ssettm $0x7FFFFFFF  }
tec
execute0_lowered:
.L_overlay_start_1:
0x0: {  	(tag) =	ssettag $0x1  }
0x1: {  	s1 =	rddreg [dreg:$0x0]  }
0x2: {  	s0 =	rddreg [dreg:$0x1];
	s3 =	simm.s32 $0x0  }
0x3: {  	v0 =	vimm.f32 $1.000000000e+00;
	[smem:$0x7FF] =	sst s3  }
0x4: {  	s4 =	srdreg.scid;
	s2 =	stileid.u32;
	_ =	strace $0x8000004A;
	[tilespmem:$0xA0] =	vst v0  }
0x5: {  	s9 =	sand.u32 $0x1, s4;
	s30 =	sshll.u32 s2, $0x1;
	[tilespmem:$0xB0] =	vst v0  }
0x6: {  	s4 =	sor.u32 s9, s30;
	[tilespmem:$0xC0] =	vst v0  }
0x7: {  	[tilespmem:$0x80] =	vst v0;
	s4 =	smul.u32 $0x180, s4  }
0x8: {  	[tilespmem:$0xF0] =	vst v0  }
0x9: {  	[tilespmem:$0xE0] =	vst v0;
	s4 =	sshrl.u32 s4, $0x3  }
0xa: {  	[tilespmem:$0xD0] =	vst v0;
	s10 =	sadd.s32 s4, s1  }
0xb: {  	s5 =	simm.s32 $0x2;
	[tilespmem:$0x90] =	vst v0;
	s4 =	sadd.s32 $0x200000, s10  }
0xc: {  	[tilespmem:s3], [sflag:$0x2] =	stream.linear.gather [hbm4b:s4+s3], $0x80, $0x38;
	[tilespmem:$0x100] =	vst v63  }
0xd: {  	_ =	swait.ge [sflag:s5], $0x80  }
0xe: {  	[sflag:s5] =	ssyncset.done $0x0  }
0xf: {  	s7 =	simm.s32 $0x80;
	s6 =	simm.s32 $0x1;
	[sflag:s5] =	ssyncadd.s32 $0xFFFFFF80  }
0x10: {  	[hbm4b:s1+s7] =	stream.indirect.scatter [tilespmem:s7], [sflag:$0x1], $0x1, s3, s7, $0xb8;
	[tilespmem:$0x100] =	vst v63  }
0x11: {  	_ =	swait.ge [sflag:s6], $0x80  }
0x12: {  	[sflag:s6] =	ssyncset.done $0x0  }
0x13: {  	s8 =	sadd.s32 $0x200010, s10;
	[sflag:s6] =	ssyncadd.s32 $0xFFFFFF80  }
0x14: {  	[tilespmem:s3], [sflag:$0x2] =	stream.linear.gather [hbm4b:s8+s3], $0x80, $0x38;
	[tilespmem:$0x100] =	vst v63  }
0x15: {  	_ =	swait.ge [sflag:s5], $0x80  }
0x16: {  	[sflag:s5] =	ssyncset.done $0x0  }
0x17: {  	s11 =	ssub.s32 $0x2, s9;
	[sflag:s5] =	ssyncadd.s32 $0xFFFFFF80  }
0x18: {  	[hbm4b:s1+s7] =	stream.indirect.scatter [tilespmem:s7], [sflag:$0x1], $0x1, s3, s7, $0xb8;
	[tilespmem:$0x100] =	vst v63  }
0x19: {  	s31 =	sshrl.u32 s11, $0x1;
	_ =	swait.ge [sflag:s6], $0x80  }
0x1a: {  	s9 =	sadd.s32 $0x200020, s10;
	s10 =	ssub.s32 s11, s31;
	[sflag:s6] =	ssyncset.done $0x0  }
0x1b: {  	s10 =	smax.u32 s10, $0x1;
	[sflag:s6] =	ssyncadd.s32 $0xFFFFFF80  }
0x1c: {  	[tilespmem:s3], [sflag:$0x2] =	stream.linear.gather [hbm4b:s9+s3], $0x80, $0x38;
	[tilespmem:$0x100] =	vst v63  }
0x1d: {  	p0 =	sne.s32 s10, $0x1;
	_ =	swait.ge [sflag:s5], $0x80  }
.Ltmp0:
0x1e: {  	[sflag:s5] =	ssyncset.done $0x0;
	(pc) =	sbr.rel @!p0 .LBB2_2-.Ltmp0, $4  }
0x1f: {  	[sflag:s5] =	ssyncadd.s32 $0xFFFFFF80  }
0x20: {  	[hbm4b:s1+s7] =	stream.indirect.scatter [tilespmem:s7], [sflag:$0x1], $0x1, s3, s7, $0xb8;
	[tilespmem:$0x100] =	vst v63  }
0x21: {  	_ =	swait.ge [sflag:s6], $0x80  }
0x22: {  	s10 =	sadd.s32 $0xFFFFFFFF, s10;
	[sflag:s6] =	ssyncset.done $0x0  }
.LBB2_1:
0x23: {  	p0 =	sne.s32 s10, $0x1;
	s10 =	sadd.s32 $0xFFFFFFFF, s10;
	[sflag:s6] =	ssyncadd.s32 $0xFFFFFF80  }
0x24: {  	[tilespmem:$0xA0] =	vst v0  }
0x25: {  	[tilespmem:$0xB0] =	vst v0  }
0x26: {  	[tilespmem:$0xC0] =	vst v0  }
0x27: {  	[tilespmem:$0x80] =	vst v0  }
0x28: {  	[tilespmem:$0xF0] =	vst v0  }
0x29: {  	[tilespmem:$0xE0] =	vst v0  }
0x2a: {  	[tilespmem:$0xD0] =	vst v0  }
0x2b: {  	[tilespmem:$0x90] =	vst v0  }
0x2c: {  	[tilespmem:s3], [sflag:$0x2] =	stream.linear.gather [hbm4b:s4+s3], $0x80, $0x38;
	[tilespmem:$0x100] =	vst v63  }
0x2d: {  	_ =	swait.ge [sflag:s5], $0x80  }
0x2e: {  	[sflag:s5] =	ssyncset.done $0x0  }
0x2f: {  	[sflag:s5] =	ssyncadd.s32 $0xFFFFFF80  }
0x30: {  	[hbm4b:s1+s7] =	stream.indirect.scatter [tilespmem:s7], [sflag:$0x1], $0x1, s3, s7, $0xb8;
	[tilespmem:$0x100] =	vst v63  }
0x31: {  	_ =	swait.ge [sflag:s6], $0x80  }
0x32: {  	[sflag:s6] =	ssyncset.done $0x0  }
0x33: {  	[sflag:s6] =	ssyncadd.s32 $0xFFFFFF80  }
0x34: {  	[tilespmem:s3], [sflag:$0x2] =	stream.linear.gather [hbm4b:s8+s3], $0x80, $0x38;
	[tilespmem:$0x100] =	vst v63  }
0x35: {  	_ =	swait.ge [sflag:s5], $0x80  }
0x36: {  	[sflag:s5] =	ssyncset.done $0x0  }
0x37: {  	[sflag:s5] =	ssyncadd.s32 $0xFFFFFF80  }
0x38: {  	[hbm4b:s1+s7] =	stream.indirect.scatter [tilespmem:s7], [sflag:$0x1], $0x1, s3, s7, $0xb8;
	[tilespmem:$0x100] =	vst v63  }
0x39: {  	_ =	swait.ge [sflag:s6], $0x80  }
0x3a: {  	[sflag:s6] =	ssyncset.done $0x0  }
0x3b: {  	[sflag:s6] =	ssyncadd.s32 $0xFFFFFF80  }
0x3c: {  	[tilespmem:s3], [sflag:$0x2] =	stream.linear.gather [hbm4b:s9+s3], $0x80, $0x38;
	[tilespmem:$0x100] =	vst v63  }
0x3d: {  	_ =	swait.ge [sflag:s5], $0x80  }
.Ltmp1:
0x3e: {  	[sflag:s5] =	ssyncset.done $0x0;
	(pc) =	sbr.rel @p0 .LBB2_1-.Ltmp1, $4  }
0x3f: {  	[sflag:s5] =	ssyncadd.s32 $0xFFFFFF80  }
0x40: {  	[hbm4b:s1+s7] =	stream.indirect.scatter [tilespmem:s7], [sflag:$0x1], $0x1, s3, s7, $0xb8;
	[tilespmem:$0x100] =	vst v63  }
0x41: {  	_ =	swait.ge [sflag:s6], $0x80  }
0x42: {  	[sflag:s6] =	ssyncset.done $0x0  }
.LBB2_2:
0x43: {  	[sflag:s6] =	ssyncadd.s32 $0xFFFFFF80  }
0x44: {  	_ =	sfence.sel $0x180000  }
0x45: {  	[bflag:$0x0] =	sbarrier.arrive $0xFFFF  }
0x46: {  	p0 =	sne.s32 s2, $0x0;
	_ =	strace $0x9000004A  }
0x47: {  	s0 =	sadd.s32 @!p0 $0x100000, s0;
	[bflag:$0x2] =	sbarrier.arrive $0xFFFF  }
0x48: {  	[sflag:s0] =	ssyncadd.tile.s32 @!p0 $0x1;
	_ =	shalt  }
.Lfunc_end2:
_tile_overlayer_lowered:
.L_overlay_start_2:
0x49: {  	(tag) =	ssettag $0x2  }
0x4a: {  	s0 =	rddreg [dreg:$0x0];
	s2 =	stileid.u32  }
0x4b: {  	s1 =	rddreg [dreg:$0x1];
	p0 =	sne.s32 s2, $0x0  }
0x4c: {  	s3 =	rddreg [dreg:$0x2];
	[bflag:$0x3] =	sbarrier.arrive $0xFFFF;
	s2 =	simm.s32 @!p0 $0x1C02  }
0x4d: {  	[timem:s3], [sflag:s2] =	dma.local @!p0 [hbm:s0], s1  }
0x4e: {  	s0 =	simm.s32 @!p0 $0x2  }
0x4f: {  	_ =	swait.ge @!p0 [sflag:s0], s1  }
0x50: {  	s1 =	ssub.s32 @!p0 $0x0, s1;
	[sflag:s0] =	ssyncset.done @!p0 $0x0  }
0x51: {  	[sflag:s0] =	ssyncadd.s32 @!p0 s1  }
0x52: {  	[bflag:$0x3] =	sbarrier.arrive $0xFFFF  }
0x53: {  	_ =	shalt  }

// kernel: sparse-core-data-format-call.cloned.1.call-start
scs
called_computation_lowered:
.L_overlay_start_0:
0x0: {  	s2 =	sld [smem:$0x3FD9]  }
0x1: {  	s3 =	sld [smem:$0x3FFE];
	_ =	sdelay $0x1  }
0x2: {  	s1 =	srdreg.scid  }
0x3: {  	s0 =	sand.u32 $0x1, s1  }
0x4: {  	s18 =	sshll.u32 s0, $0xA;
	s2 =	sadd.s32 s3, s2  }
0x5: {  	s2 =	sadd.s32 s2, s18  }
0x6: {  	[smem:$0x3FC7] =	sst s2  }
0x7: {  	_ = 	snop  }
0x8: {  	s2 =	sld [smem:$0x3FD0];
	(tm) =	ssettm $0x1  }
0x9: {  	s19 =	sld [smem:$0x3FFB];
	_ =	sdelay $0x3  }
0xa: {  	_ =	strace s19  }
0xb: {  	s3 =	sld [smem:$0x3FFC];
	_ =	sdelay $0x3  }
0xc: {  	_ =	strace s3  }
0xd: {  	s3 =	sld [smem:$0x3FFD];
	_ =	sdelay $0x3  }
0xe: {  	_ =	strace s3  }
0xf: {  	_ =	strace $0x8FFFFFFF  }
0x10: {  	s20 =	sld [smem:$0x3FDB];
	_ =	sdelay $0x1  }
0x11: {  	s4 =	simm.s32 $_scs_section_size  }
0x12: {  	s5 =	simm.s32 $_size__tile_overlayer_lowered;
	s6 =	simm.s32 $_tile_overlayer_lowered  }
0x13: {  	s23 =	simm.s32 $0x1BFF;
	s22 =	sshll.u32 s6, $0x1;
	s3 =	sadd.s32 s4, s20  }
0x14: {  	s7 =	simm.s32 $0x0;
	s21 =	sshll.u32 s5, $0x1;
	s5 =	sadd.s32 s22, s3  }
0x15: {  	[timem:s7], [sflag:s23] =	dma.local [hbm:s5], s21  }
0x16: {  	_ =	swait.ge [sflag:s23], s21  }
0x17: {  	s4 =	ssub.s32 $0x0, s21;
	[sflag:s23] =	ssyncset.done $0x0  }
0x18: {  	[sflag:s23] =	ssyncadd.s32 s4;
	_ =	sdelay $0x1  }
0x19: {  	s24 =	simm.s32 $0x1B8B  }
0x1a: {  	_ =	swait.ge [sflag:s24], $0x1  }
0x1b: {  	[sflag:s24] =	ssyncset.done $0x0  }
0x1c: {  	s26 =	simm.s32 $0x1B8E;
	s25 =	sld [smem:$0x3FFE];
	[sflag:s24] =	ssyncadd.s32 $0xFFFFFFFF  }
0x1d: {  	s27 =	simm.s32 $execute0_lowered;
	[smem:$0x3FD2] =	sst s26  }
0x1e: {  	s5 =	sshll.u32 s27, $0x1;
	_ =	strace $0x80000046;
	[dreg:$0x1] =	wrdreg $0xFFFFFFFF  }
0x1f: {  	s28 =	simm.s32 $_size_execute0_lowered;
	s3 =	sadd.s32 s3, s5;
	[dreg:$0x0] =	wrdreg $0x0  }
0x20: {  	s5 =	sshll.u32 s28, $0x1;
	[dreg:$0x2] =	wrdreg s3  }
0x21: {  	[dreg:$0x3] =	wrdreg s5  }
0x22: {  	[dreg:$0x4] =	wrdreg $0xC0  }
0x23: {  	_ =	task [dreg:s7], $0x5FFFF  }
0x24: {  	[dreg:$0x1] =	wrdreg $0xFFFFFFFF  }
0x25: {  	[dreg:$0x0] =	wrdreg $0x60  }
0x26: {  	[dreg:$0x2] =	wrdreg s2  }
0x27: {  	[dreg:$0x3] =	wrdreg s25  }
0x28: {  	[dreg:$0x4] =	wrdreg $0x9  }
0x29: {  	_ =	task.clear_ibuf [dreg:s7], $0x5FFFF;
	_ =	strace $0x90000046  }
0x2a: {  	s29 =	simm.s32 $0x9;
	_ =	strace $0x80000048  }
0x2b: {  	_ =	swait.ge [sflag:s29], $0x1  }
0x2c: {  	[sflag:s29] =	ssyncadd.s32 $0xFFFFFFFF  }
0x2d: {  	_ =	strace $0x90000048  }
0x2e: {  	_ =	sfence  }
0x2f: {  	s30 =	sld [smem:$0x0];
	_ =	sdelay $0x2  }
0x30: {  	s31 =	sshll.u32 s1, $0xD;
	s1 =	sshrl.u32 s1, $0x2  }
0x31: {  	s3 =	sand.u32 $0x4000, s31;
	s1 =	sadd.s32 s1, s30  }
0x32: {  	s0 =	sor.u32 s3, s0;
	s1 =	sshll.u32 s1, $0x11  }
0x33: {  	s0 =	sor.u32 s1, s0  }
0x34: {  	s0 =	sadd.s32 $0x8F2B, s0  }
0x35: {  	[sflag:s0] =	ssyncadd.remote.s32 $0x1  }
0x36: {  	_ =	sfence.sel $0xFFFF  }
0x37: {  	[dreg:$0x0] =	wrdreg $0xFFFFFFFF;
	(pc) =	sbr.abs _section_cstart, $3  }
0x38: {  	[dreg:$0x1] =	wrdreg $0xFFFFFFFF  }
0x39: {  	_ =	task.clear_ibuf [dreg:s7], $0x2FFFF;
	_ =	strace $0x9FFFFFFF  }
0x3a: {  	(tm) =	ssettm $0x7FFFFFFF  }
0x3b: {  	_ =	shalt  }
tec
execute0_lowered:
.L_overlay_start_1:
0x0: {  	(tag) =	ssettag $0x1  }
0x1: {  	s2 =	rddreg [dreg:$0x0]  }
0x2: {  	s3 =	rddreg [dreg:$0x1]  }
0x3: {  	s0 =	rddreg [dreg:$0x2];
	_ =	strace $0x80000047  }
0x4: {  	s4 =	srdreg.scid;
	s1 =	stileid.u32;
	s6 =	simm.s32 $0x2  }
.Ltmp0:
0x5: {  	s11 =	simm.s32 $0x0;
	p0 =	por $0x0, $0x0;
	(pc) =	sbr.rel .LBB1_1-.Ltmp0, $4  }
0x6: {  	s7 =	simm.s32 $0x1000;
	s12 =	simm.s32 $0x0;
	s5 =	sshll.u32 s4, $0x4  }
0x7: {  	s9 =	simm.s32 $0x0;
	s4 =	simm.s32 $0x1;
	s5 =	sand.u32 $0x10, s5  }
0x8: {  	s8 =	simm.s32 $0x0;
	[sflag:s4] =	ssyncpa.u1 $0x0;
	s5 =	sor.u32 s1, s5  }
0x9: {  	[sflag:s6] =	ssyncpa.u1 $0x0;
	s6 =	simm.s32 $0x800;
	s10 =	smov.u32 s5  }
.LBB1_7:
0xa: {  	s13 =	sadd.s32 $0x10, s9  }
0xb: {  	s11 =	sadd.s32 $0x20, s10;
	s15 =	smov.u32 s10;
	p2 =	sgt.s32 s13, $0x1F  }
0xc: {  	p1 =	slt.u32 s8, $0x2;
	s15 =	smov.u32 @p2 s11  }
0xd: {  	s8 =	sadd.s32 $0x1, s8;
	s13 =	simm.s32 @p2 $0x0;
	p2 =	sgt.s32 s15, $0x1FF  }
0xe: {  	s15 =	smov.u32 @p2 s5;
	p2 =	sne.s32 s8, $0x22  }
.Ltmp1:
0xf: {  	_ = 	snop;
	(pc) =	sbr.rel @!p2 .LBB1_8-.Ltmp1, $4  }
0x10: {  	s14 =	simm.s32 @!p1 $0x2  }
0x11: {  	s12 =	smov.u32 s10;
	_ =	swait.ge @!p1 [sflag:s14], $0x4000  }
0x12: {  	p0 =	por !p0, !p0;
	s11 =	smov.u32 s9;
	[sflag:s14] =	ssyncset.done @!p1 $0x0  }
0x13: {  	s9 =	smov.u32 s13;
	[sflag:s14] =	ssyncadd.s32 @!p1 $0xFFFFC000;
	s10 =	smov.u32 s15  }
.LBB1_1:
0x14: {  	p1 =	sgt.u32 s8, $0x1F  }
0x15: {  	s13 =	sxor.u32 @!p1 $0xFFFFFFFF, s8;
	s14 =	sshll.u32 @!p1 s10, $0xC  }
0x16: {  	s15 =	sshll.u32 @!p1 s9, $0x7;
	s13 =	sshll.u32 @!p1 s13, $0xE;
	s14 =	sadd.s32 @!p1 s2, s14  }
0x17: {  	s13 =	sand.u32 @!p1 $0x4000, s13;
	s14 =	sadd.s32 @!p1 s15, s14;
	s15 =	simm.s32 @!p1 $0x0  }
0x18: {  	[tilespmem:s13], [sflag:$0x1] =	stream.linear.gather @!p1 [hbm4b:s14+s15], $0x4000, $0x38;
	[tilespmem:$0x10000] =	vst v63  }
0x19: {  	p1 =	seq.s32 s8, $0x0  }
0x1a: {  	p2 =	seq.s32 @!p1 s8, $0x21  }
0x1b: {  	p1 =	por p1, p2  }
.Ltmp2:
0x1c: {  	_ = 	snop;
	(pc) =	sbr.rel @p1 .LBB1_7-.Ltmp2, $1  }
0x1d: {  	_ =	sdelay $0x3  }
0x1e: {  	s13 =	simm.s32 $0x1;
	_ =	swait.ge [sflag:s4], $0x4000;
	s16 =	sshll.u32 s8, $0xE  }
0x1f: {  	s13 =	simm.s32 @!p0 $0x0;
	[sflag:s4] =	ssyncset.done $0x0;
	s31 =	sand.u32 $0x4000, s16  }
0x20: {  	s16 =	simm.s32 $0x0;
	s14 =	sshll.u32 s13, $0xE;
	[sflag:s4] =	ssyncadd.s32 $0xFFFFC000  }
0x21: {  	s13 =	sor.u32 $0x8040, s14;
	s15 =	sor.u32 $0x40, s14;
	s14 =	sor.u32 $0x8000, s31  }
.LBB1_3:
0x22: {  	v0 =	vmov s15;
	_ =	sdelay $0x3  }
0x23: {  	s18 =	simm.s32 $0x0  }
0x24: {  	v6 =	vld.idx.msk [tilespmem:v0+s18+$0x30 ss:$0x1], $0xffff  }
0x25: {  	v7 =	vld.idx.msk [tilespmem:v0+s18+$0xFFFFFFC0 ss:$0x1], $0xffff  }
0x26: {  	v5 =	vld.idx.msk [tilespmem:v0+s18+$0xFFFFFFD0 ss:$0x1], $0xffff  }
0x27: {  	v4 =	vld.idx.msk [tilespmem:v0+s18+$0xFFFFFFE0 ss:$0x1], $0xffff  }
0x28: {  	v3 =	vld.idx.msk [tilespmem:v0+s18+$0xFFFFFFF0 ss:$0x1], $0xffff  }
0x29: {  	v1 =	vld.idx.msk [tilespmem:v0+s18+$0x0 ss:$0x1], $0xffff  }
0x2a: {  	v2 =	vld.idx.msk [tilespmem:v0+s18+$0x10 ss:$0x1], $0xffff;
	[tilespmem:s13+$0x30] =	vst v6  }
0x2b: {  	s17 =	simm.s32 $0x80;
	s19 =	simm.s32 $0x400;
	[tilespmem:s13+$0xFFFFFFC0] =	vst v7;
	v6 =	vld.idx.msk [tilespmem:v0+s18+$0x20 ss:$0x1], $0xffff;
	s18 =	smov.u32 s13  }
.LBB1_4:
0x2c: {  	p1 =	sne.s32 s19, $0xE00;
	v7 =	vld.idx.msk [tilespmem:v0+s17+$0x30 ss:$0x1], $0xffff;
	[tilespmem:s18+$0xFFFFFFD0] =	vst v5  }
0x2d: {  	v8 =	vld.idx.msk [tilespmem:v0+s17+$0xFFFFFFC0 ss:$0x1], $0xffff;
	[tilespmem:s18+$0xFFFFFFE0] =	vst v4  }
0x2e: {  	v5 =	vld.idx.msk [tilespmem:v0+s17+$0xFFFFFFD0 ss:$0x1], $0xffff;
	[tilespmem:s18+$0xFFFFFFF0] =	vst v3  }
.Ltmp3:
0x2f: {  	v4 =	vld.idx.msk [tilespmem:v0+s17+$0xFFFFFFE0 ss:$0x1], $0xffff;
	[tilespmem:s18+$0x0] =	vst v1;
	(pc) =	sbr.rel @p1 .LBB1_4-.Ltmp3, $4  }
0x30: {  	v3 =	vld.idx.msk [tilespmem:v0+s17+$0xFFFFFFF0 ss:$0x1], $0xffff;
	[tilespmem:s18+$0x10] =	vst v2  }
0x31: {  	v1 =	vld.idx.msk [tilespmem:v0+s17+$0x0 ss:$0x1], $0xffff;
	[tilespmem:s18+$0x20] =	vst v6;
	s18 =	sadd.s32 $0x800, s18  }
0x32: {  	v2 =	vld.idx.msk [tilespmem:v0+s17+$0x10 ss:$0x1], $0xffff;
	[tilespmem:s18+$0x30] =	vst v7  }
0x33: {  	[tilespmem:s18+$0xFFFFFFC0] =	vst v8;
	v6 =	vld.idx.msk [tilespmem:v0+s17+$0x20 ss:$0x1], $0xffff;
	s17 =	sshra.s32 s19, $0x2;
	s19 =	sadd.s32 $0x200, s19  }
0x34: {  	_ =	sdelay $0x2  }
0x35: {  	[tilespmem:s18+$0xFFFFFFD0] =	vst v5  }
0x36: {  	v56 =	vld.idx.msk [tilespmem:v0+s17+$0x30 ss:$0x1], $0xffff;
	[tilespmem:s18+$0xFFFFFFE0] =	vst v4  }
0x37: {  	v57 =	vld.idx.msk [tilespmem:v0+s17+$0xFFFFFFC0 ss:$0x1], $0xffff;
	[tilespmem:s18+$0xFFFFFFF0] =	vst v3  }
0x38: {  	v58 =	vld.idx.msk [tilespmem:v0+s17+$0xFFFFFFD0 ss:$0x1], $0xffff;
	[tilespmem:s18+$0x0] =	vst v1  }
0x39: {  	v59 =	vld.idx.msk [tilespmem:v0+s17+$0xFFFFFFE0 ss:$0x1], $0xffff;
	[tilespmem:s18+$0x10] =	vst v2  }
0x3a: {  	v60 =	vld.idx.msk [tilespmem:v0+s17+$0xFFFFFFF0 ss:$0x1], $0xffff;
	s31 =	sadd.s32 $0x800, s18;
	[tilespmem:s18+$0x20] =	vst v6  }
0x3b: {  	v61 =	vld.idx.msk [tilespmem:v0+s17+$0x0 ss:$0x1], $0xffff;
	[tilespmem:s31+$0x30] =	vst v56  }
0x3c: {  	v62 =	vld.idx.msk [tilespmem:v0+s17+$0x10 ss:$0x1], $0xffff;
	s16 =	sadd.s32 $0x1, s16;
	[tilespmem:s31+$0xFFFFFFC0] =	vst v57  }
0x3d: {  	v63 =	vld.idx.msk [tilespmem:v0+s17+$0x20 ss:$0x1], $0xffff;
	p1 =	sne.s32 s16, $0x10;
	[tilespmem:s31+$0xFFFFFFD0] =	vst v58  }
.Ltmp4:
0x3e: {  	[tilespmem:s31+$0xFFFFFFE0] =	vst v59;
	(pc) =	sbr.rel @p1 .LBB1_3-.Ltmp4, $4  }
0x3f: {  	[tilespmem:s31+$0xFFFFFFF0] =	vst v60  }
0x40: {  	[tilespmem:s31+$0x0] =	vst v61  }
0x41: {  	[tilespmem:s31+$0x10] =	vst v62  }
0x42: {  	s13 =	sadd.s32 $0x80, s13;
	s15 =	sadd.s32 $0x400, s15;
	[tilespmem:s31+$0x20] =	vst v63  }
.Ltmp5:
0x43: {  	(pc) =	sbr.rel .LBB1_7-.Ltmp5, $4  }
0x44: {  	s12 =	sshll.u32 s12, $0xC;
	s11 =	sshll.u32 s11, $0x4  }
0x45: {  	s11 =	sand.u32 $0x1F0, s11;
	s12 =	sadd.s32 s3, s12  }
0x46: {  	s11 =	sadd.s32 s11, s12  }
0x47: {  	[hbm4b:s11+s6] =	stream.strided.scatter [tilespmem:s14], [sflag:$0x2], $0x4000, s7, s6, $0x38;
	[tilespmem:$0x10000] =	vst v63  }
.LBB1_8:
0x48: {  	_ =	sfence.sel $0x180000  }
0x49: {  	s2 =	simm.s32 $0x1;
	[bflag:$0x0] =	sbarrier.arrive $0xFFFF  }
0x4a: {  	s31 =	simm.s32 $0x2;
	[sflag:s2] =	ssyncpa.u1 $0x1  }
0x4b: {  	[sflag:s31] =	ssyncpa.u1 $0x1  }
0x4c: {  	p0 =	sne.s32 s1, $0x0;
	_ =	strace $0x90000047  }
0x4d: {  	s0 =	sadd.s32 @!p0 $0x100000, s0;
	[bflag:$0x2] =	sbarrier.arrive $0xFFFF  }
0x4e: {  	[sflag:s0] =	ssyncadd.tile.s32 @!p0 $0x1;
	_ =	shalt  }
.Lfunc_end1:
_tile_overlayer_lowered:
.L_overlay_start_2:
0x4f: {  	(tag) =	ssettag $0x2  }
0x50: {  	s0 =	rddreg [dreg:$0x0];
	s2 =	stileid.u32  }
0x51: {  	s1 =	rddreg [dreg:$0x1];
	p0 =	sne.s32 s2, $0x0  }
0x52: {  	s3 =	rddreg [dreg:$0x2];
	[bflag:$0x3] =	sbarrier.arrive $0xFFFF;
	s2 =	simm.s32 @!p0 $0x1C01  }
0x53: {  	[timem:s3], [sflag:s2] =	dma.local @!p0 [hbm:s0], s1  }
0x54: {  	s0 =	simm.s32 @!p0 $0x1  }
0x55: {  	_ =	swait.ge @!p0 [sflag:s0], s1  }
0x56: {  	s1 =	ssub.s32 @!p0 $0x0, s1;
	[sflag:s0] =	ssyncset.done @!p0 $0x0  }
0x57: {  	[sflag:s0] =	ssyncadd.s32 @!p0 s1  }
0x58: {  	[bflag:$0x3] =	sbarrier.arrive $0xFFFF  }
0x59: {  	_ =	shalt  }

</sc_bundles>
